<compile_context>
chip_gen: v7x
topology: tpu7x:2x2x1
jax: 0.10.2.dev20260603
libtpu: 0.0.44.dev20260713+nightly
codegen_flags: <defaults>
</compile_context>

<pallas_src>
import jax
import jax.numpy as jnp
from jax import lax
from jax.experimental import pallas as pl
from jax.experimental.pallas import tpu as pltpu
from jax.experimental.pallas import tpu_sc as plsc

_B = 16384
_D = 128
_NT = 4
_NC = 2
_NS = 16
_NW = _NC * _NS
_ROWS_PER_W = _B // _NW
_LG = _D // 16
_SC_T = 3

_TC_BLK = 8192


def _sc_body(v, tbl, o, tbl_v, buf, bsem, tsem):
    wid = lax.axis_index("s") * _NC + lax.axis_index("c")
    base = wid * _ROWS_PER_W

    tbl_copy = pltpu.async_copy(tbl, tbl_v, tsem)
    in_copy = pltpu.async_copy(v.at[pl.ds(base, _ROWS_PER_W)], buf, bsem)
    tbl_copy.wait()
    trow = [tbl_v[_SC_T, pl.ds(g * 16, 16)] for g in range(_LG)]
    in_copy.wait()

    @plsc.parallel_loop(0, _ROWS_PER_W, step=1, unroll=2)
    def row_body(r):
        for g in range(_LG):
            sl = pl.ds(g * 16, 16)
            buf[r, sl] = buf[r, sl] + trow[g]

    pltpu.async_copy(buf, o.at[pl.ds(base, _ROWS_PER_W)], bsem).wait()


def _sc_call(vec, embedding_table):
    f = pl.kernel(
        _sc_body,
        out_type=jax.ShapeDtypeStruct((_B, _D), jnp.float32),
        mesh=plsc.VectorSubcoreMesh(core_axis_name="c", subcore_axis_name="s"),
        scratch_types=[
            pltpu.VMEM((_NT, _D), jnp.float32),
            pltpu.VMEM((_ROWS_PER_W, _D), jnp.float32),
            pltpu.SemaphoreType.DMA,
            pltpu.SemaphoreType.DMA,
        ],
    )
    return f(vec, embedding_table)


def _tc_body(v0, v1, v2, tbl, o0, o1, o2):
    o0[...] = v0[...] + tbl[0:1, :]
    o1[...] = v1[...] + tbl[1:2, :]
    o2[...] = v2[...] + tbl[2:3, :]


def _tc_call(vec0, vec1, vec2, embedding_table):
    blk = pl.BlockSpec((_TC_BLK, _D), lambda i: (i, 0))
    tblspec = pl.BlockSpec((_NT, _D), lambda i: (0, 0))
    return pl.pallas_call(
        _tc_body,
        grid=(_B // _TC_BLK,),
        in_specs=[blk, blk, blk, tblspec],
        out_specs=[blk, blk, blk],
        out_shape=[jax.ShapeDtypeStruct((_B, _D), jnp.float32)] * 3,
    )(vec0, vec1, vec2, embedding_table)


def kernel(vec0, vec1, vec2, vec3, embedding_table):
    out0, out1, out2 = _tc_call(vec0, vec1, vec2, embedding_table)
    out3 = _sc_call(vec3, embedding_table)
    return (out0, out1, out2, out3)

# --- scband reference (transcript-rebuilt; emitter-appended) ---
"""Pipeline reference for scband-source-embedding-80410377715973 (READ-ONLY COPY).

The authoritative reference and input builder live on the scoring server;
editing this copy changes nothing except your own understanding.
"""

import jax, jax.numpy as jnp
import numpy as np

N_SOURCES = 4
EMB_SIZE = 128
BATCH = 16384


def setup_inputs(seed: int = 0) -> dict:
    key = jax.random.key(seed)
    ks = jax.random.split(key, N_SOURCES + 1)
    inp = {}
    for i in range(N_SOURCES):
        inp[f"vec{i}"] = jax.random.normal(ks[i], (BATCH, EMB_SIZE), dtype=jnp.float32)
    # learned parameter: nn.Embedding(n_sources, emb_size) weight
    inp["embedding_table"] = jax.random.normal(ks[N_SOURCES], (N_SOURCES, EMB_SIZE), dtype=jnp.float32) * 0.02
    return inp


def reference(vec0, vec1, vec2, vec3, embedding_table):
    vectors = (vec0, vec1, vec2, vec3)
    result = []
    for idx, vector in enumerate(vectors):
        # emb = self.embedding(LongTensor([idx])).squeeze()
        emb = jnp.take(embedding_table, jnp.array([idx], dtype=jnp.int32), axis=0).squeeze()
        result.append(vector + emb)
    return tuple(result)

if __name__ == "__main__":
    import jax
    _d = setup_inputs()
    print(jax.jit(kernel)(*tuple(_d.values())))

</pallas_src>

<mosaic_0001>
#map = affine_map<(d0, d1) -> (0, 0)>
module attributes {stable_mosaic.version = 14 : i64} {
  func.func @_sc_body(%arg0: i32, %arg1: i32, %arg2: memref<16384x128xf32, #tpu.memory_space<hbm>>, %arg3: memref<4x128xf32, #tpu.memory_space<hbm>>, %arg4: memref<16384x128xf32, #tpu.memory_space<hbm>>, %arg5: memref<4x128xf32, #tpu.memory_space<vmem>>, %arg6: memref<512x128xf32, #tpu.memory_space<vmem>>, %arg7: memref<!tpu.dma_semaphore, #tpu.memory_space<semaphore_mem>>, %arg8: memref<!tpu.dma_semaphore, #tpu.memory_space<semaphore_mem>>) attributes {dimension_semantics = [#tpu.dimension_semantics<core_parallel>, #tpu.dimension_semantics<subcore_parallel>], iteration_bounds = array<i64: 2, 16>, scalar_prefetch = 0 : i64, scratch_operands = 4 : i64, tpu.core_type = #tpu.core_type<sc_vector_subcore>, window_params = [{transform_indices = #map}, {transform_indices = #map}, {transform_indices = #map}]} {
    %mul3A = arith.constant 2 : i32
    %mul3A_0 = arith.muli %arg1, %mul3A : i32
    %add3A = arith.addi %mul3A_0, %arg0 : i32
    %mul3A_1 = arith.constant 512 : i32
    %mul3A_2 = arith.muli %add3A, %mul3A_1 : i32
    tpu.enqueue_dma source(%arg3 : memref<4x128xf32, #tpu.memory_space<hbm>>) target(%arg5 : memref<4x128xf32, #tpu.memory_space<vmem>>) target_semaphore(%arg8 : memref<!tpu.dma_semaphore, #tpu.memory_space<semaphore_mem>>)
    %dma_start3A = arith.constant 0 : i32
    %dma_start3A_3 = tpu.memref_slice %arg2[%mul3A_2, %dma_start3A] : memref<16384x128xf32, #tpu.memory_space<hbm>> -> memref<512x128xf32, #tpu.memory_space<hbm>>
    %dma_start3A_4 = arith.constant 0 : i32
    %dma_start3A_5 = tpu.memref_slice %arg2[%mul3A_2, %dma_start3A_4] : memref<16384x128xf32, #tpu.memory_space<hbm>> -> memref<512x128xf32, #tpu.memory_space<hbm>>
    tpu.enqueue_dma source(%dma_start3A_5 : memref<512x128xf32, #tpu.memory_space<hbm>>) target(%arg6 : memref<512x128xf32, #tpu.memory_space<vmem>>) target_semaphore(%arg7 : memref<!tpu.dma_semaphore, #tpu.memory_space<semaphore_mem>>)
    tpu.wait_dma2 semaphore(%arg8 : memref<!tpu.dma_semaphore, #tpu.memory_space<semaphore_mem>>) src(%arg3 : memref<4x128xf32, #tpu.memory_space<hbm>>) dst(%arg5 : memref<4x128xf32, #tpu.memory_space<vmem>>)
    %get3A = arith.constant 3 : i32
    %get3A_6 = arith.index_cast %get3A : i32 to index
    %get3A_7 = arith.constant 0 : index
    %get3A_8 = tpu.vector_load %arg5[%get3A_6, %get3A_7] {strides = array<i32>} : memref<4x128xf32, #tpu.memory_space<vmem>>, vector<1x16xf32>,
    %get3A_9 = vector.shape_cast %get3A_8 : vector<1x16xf32> to vector<16xf32>
    %get3A_10 = arith.constant 3 : i32
    %get3A_11 = arith.index_cast %get3A_10 : i32 to index
    %get3A_12 = arith.constant 16 : index
    %get3A_13 = tpu.vector_load %arg5[%get3A_11, %get3A_12] {strides = array<i32>} : memref<4x128xf32, #tpu.memory_space<vmem>>, vector<1x16xf32>,
    %get3A_14 = vector.shape_cast %get3A_13 : vector<1x16xf32> to vector<16xf32>
    %get3A_15 = arith.constant 3 : i32
    %get3A_16 = arith.index_cast %get3A_15 : i32 to index
    %get3A_17 = arith.constant 32 : index
    %get3A_18 = tpu.vector_load %arg5[%get3A_16, %get3A_17] {strides = array<i32>} : memref<4x128xf32, #tpu.memory_space<vmem>>, vector<1x16xf32>,
    %get3A_19 = vector.shape_cast %get3A_18 : vector<1x16xf32> to vector<16xf32>
    %get3A_20 = arith.constant 3 : i32
    %get3A_21 = arith.index_cast %get3A_20 : i32 to index
    %get3A_22 = arith.constant 48 : index
    %get3A_23 = tpu.vector_load %arg5[%get3A_21, %get3A_22] {strides = array<i32>} : memref<4x128xf32, #tpu.memory_space<vmem>>, vector<1x16xf32>,
    %get3A_24 = vector.shape_cast %get3A_23 : vector<1x16xf32> to vector<16xf32>
    %get3A_25 = arith.constant 3 : i32
    %get3A_26 = arith.index_cast %get3A_25 : i32 to index
    %get3A_27 = arith.constant 64 : index
    %get3A_28 = tpu.vector_load %arg5[%get3A_26, %get3A_27] {strides = array<i32>} : memref<4x128xf32, #tpu.memory_space<vmem>>, vector<1x16xf32>,
    %get3A_29 = vector.shape_cast %get3A_28 : vector<1x16xf32> to vector<16xf32>
    %get3A_30 = arith.constant 3 : i32
    %get3A_31 = arith.index_cast %get3A_30 : i32 to index
    %get3A_32 = arith.constant 80 : index
    %get3A_33 = tpu.vector_load %arg5[%get3A_31, %get3A_32] {strides = array<i32>} : memref<4x128xf32, #tpu.memory_space<vmem>>, vector<1x16xf32>,
    %get3A_34 = vector.shape_cast %get3A_33 : vector<1x16xf32> to vector<16xf32>
    %get3A_35 = arith.constant 3 : i32
    %get3A_36 = arith.index_cast %get3A_35 : i32 to index
    %get3A_37 = arith.constant 96 : index
    %get3A_38 = tpu.vector_load %arg5[%get3A_36, %get3A_37] {strides = array<i32>} : memref<4x128xf32, #tpu.memory_space<vmem>>, vector<1x16xf32>,
    %get3A_39 = vector.shape_cast %get3A_38 : vector<1x16xf32> to vector<16xf32>
    %get3A_40 = arith.constant 3 : i32
    %get3A_41 = arith.index_cast %get3A_40 : i32 to index
    %get3A_42 = arith.constant 112 : index
    %get3A_43 = tpu.vector_load %arg5[%get3A_41, %get3A_42] {strides = array<i32>} : memref<4x128xf32, #tpu.memory_space<vmem>>, vector<1x16xf32>,
    %get3A_44 = vector.shape_cast %get3A_43 : vector<1x16xf32> to vector<16xf32>
    %dma_wait3A = arith.constant 0 : i32
    %dma_wait3A_45 = tpu.memref_slice %arg2[%mul3A_2, %dma_wait3A] : memref<16384x128xf32, #tpu.memory_space<hbm>> -> memref<512x128xf32, #tpu.memory_space<hbm>>
    %dma_wait3A_46 = arith.constant 0 : i32
    %dma_wait3A_47 = tpu.memref_slice %arg2[%mul3A_2, %dma_wait3A_46] : memref<16384x128xf32, #tpu.memory_space<hbm>> -> memref<512x128xf32, #tpu.memory_space<hbm>>
    tpu.wait_dma2 semaphore(%arg7 : memref<!tpu.dma_semaphore, #tpu.memory_space<semaphore_mem>>) src(%dma_wait3A_47 : memref<512x128xf32, #tpu.memory_space<hbm>>) dst(%arg6 : memref<512x128xf32, #tpu.memory_space<vmem>>)
    %parallel_loop3A = arith.constant 0 : i32
    %parallel_loop3A_48 = arith.constant 512 : i32
    %parallel_loop3A_49 = arith.constant 1 : i32
    scf.for %parallel_loop3A_58 = %parallel_loop3A to %parallel_loop3A_48 step %parallel_loop3A_49  : i32 {
      %parallel_loop3A_59 = arith.index_cast %parallel_loop3A_58 : i32 to index
      %parallel_loop3A_60 = arith.constant 0 : index
      %parallel_loop3A_61 = tpu.vector_load %arg6[%parallel_loop3A_59, %parallel_loop3A_60] {strides = array<i32>} : memref<512x128xf32, #tpu.memory_space<vmem>>, vector<1x16xf32>,
      %parallel_loop3A_62 = vector.shape_cast %parallel_loop3A_61 : vector<1x16xf32> to vector<16xf32>
      %parallel_loop3A_63 = arith.addf %parallel_loop3A_62, %get3A_9 : vector<16xf32>
      %parallel_loop3A_64 = arith.index_cast %parallel_loop3A_58 : i32 to index
      %parallel_loop3A_65 = arith.constant 0 : index
      %parallel_loop3A_66 = tpu.vector_load %arg6[%parallel_loop3A_64, %parallel_loop3A_65] {strides = array<i32>} : memref<512x128xf32, #tpu.memory_space<vmem>>, vector<1x16xf32>,
      %parallel_loop3A_67 = vector.shape_cast %parallel_loop3A_66 : vector<1x16xf32> to vector<16xf32>
      %parallel_loop3A_68 = vector.shape_cast %parallel_loop3A_63 : vector<16xf32> to vector<1x16xf32>
      tpu.vector_store %arg6[%parallel_loop3A_64, %parallel_loop3A_65], %parallel_loop3A_68 {strides = array<i32>} : memref<512x128xf32, #tpu.memory_space<vmem>>, vector<1x16xf32>,
      %parallel_loop3A_69 = arith.index_cast %parallel_loop3A_58 : i32 to index
      %parallel_loop3A_70 = arith.constant 16 : index
      %parallel_loop3A_71 = tpu.vector_load %arg6[%parallel_loop3A_69, %parallel_loop3A_70] {strides = array<i32>} : memref<512x128xf32, #tpu.memory_space<vmem>>, vector<1x16xf32>,
      %parallel_loop3A_72 = vector.shape_cast %parallel_loop3A_71 : vector<1x16xf32> to vector<16xf32>
      %parallel_loop3A_73 = arith.addf %parallel_loop3A_72, %get3A_14 : vector<16xf32>
      %parallel_loop3A_74 = arith.index_cast %parallel_loop3A_58 : i32 to index
      %parallel_loop3A_75 = arith.constant 16 : index
      %parallel_loop3A_76 = tpu.vector_load %arg6[%parallel_loop3A_74, %parallel_loop3A_75] {strides = array<i32>} : memref<512x128xf32, #tpu.memory_space<vmem>>, vector<1x16xf32>,
      %parallel_loop3A_77 = vector.shape_cast %parallel_loop3A_76 : vector<1x16xf32> to vector<16xf32>
      %parallel_loop3A_78 = vector.shape_cast %parallel_loop3A_73 : vector<16xf32> to vector<1x16xf32>
      tpu.vector_store %arg6[%parallel_loop3A_74, %parallel_loop3A_75], %parallel_loop3A_78 {strides = array<i32>} : memref<512x128xf32, #tpu.memory_space<vmem>>, vector<1x16xf32>,
      %parallel_loop3A_79 = arith.index_cast %parallel_loop3A_58 : i32 to index
      %parallel_loop3A_80 = arith.constant 32 : index
      %parallel_loop3A_81 = tpu.vector_load %arg6[%parallel_loop3A_79, %parallel_loop3A_80] {strides = array<i32>} : memref<512x128xf32, #tpu.memory_space<vmem>>, vector<1x16xf32>,
      %parallel_loop3A_82 = vector.shape_cast %parallel_loop3A_81 : vector<1x16xf32> to vector<16xf32>
      %parallel_loop3A_83 = arith.addf %parallel_loop3A_82, %get3A_19 : vector<16xf32>
      %parallel_loop3A_84 = arith.index_cast %parallel_loop3A_58 : i32 to index
      %parallel_loop3A_85 = arith.constant 32 : index
      %parallel_loop3A_86 = tpu.vector_load %arg6[%parallel_loop3A_84, %parallel_loop3A_85] {strides = array<i32>} : memref<512x128xf32, #tpu.memory_space<vmem>>, vector<1x16xf32>,
      %parallel_loop3A_87 = vector.shape_cast %parallel_loop3A_86 : vector<1x16xf32> to vector<16xf32>
      %parallel_loop3A_88 = vector.shape_cast %parallel_loop3A_83 : vector<16xf32> to vector<1x16xf32>
      tpu.vector_store %arg6[%parallel_loop3A_84, %parallel_loop3A_85], %parallel_loop3A_88 {strides = array<i32>} : memref<512x128xf32, #tpu.memory_space<vmem>>, vector<1x16xf32>,
      %parallel_loop3A_89 = arith.index_cast %parallel_loop3A_58 : i32 to index
      %parallel_loop3A_90 = arith.constant 48 : index
      %parallel_loop3A_91 = tpu.vector_load %arg6[%parallel_loop3A_89, %parallel_loop3A_90] {strides = array<i32>} : memref<512x128xf32, #tpu.memory_space<vmem>>, vector<1x16xf32>,
      %parallel_loop3A_92 = vector.shape_cast %parallel_loop3A_91 : vector<1x16xf32> to vector<16xf32>
      %parallel_loop3A_93 = arith.addf %parallel_loop3A_92, %get3A_24 : vector<16xf32>
      %parallel_loop3A_94 = arith.index_cast %parallel_loop3A_58 : i32 to index
      %parallel_loop3A_95 = arith.constant 48 : index
      %parallel_loop3A_96 = tpu.vector_load %arg6[%parallel_loop3A_94, %parallel_loop3A_95] {strides = array<i32>} : memref<512x128xf32, #tpu.memory_space<vmem>>, vector<1x16xf32>,
      %parallel_loop3A_97 = vector.shape_cast %parallel_loop3A_96 : vector<1x16xf32> to vector<16xf32>
      %parallel_loop3A_98 = vector.shape_cast %parallel_loop3A_93 : vector<16xf32> to vector<1x16xf32>
      tpu.vector_store %arg6[%parallel_loop3A_94, %parallel_loop3A_95], %parallel_loop3A_98 {strides = array<i32>} : memref<512x128xf32, #tpu.memory_space<vmem>>, vector<1x16xf32>,
      %parallel_loop3A_99 = arith.index_cast %parallel_loop3A_58 : i32 to index
      %parallel_loop3A_100 = arith.constant 64 : index
      %parallel_loop3A_101 = tpu.vector_load %arg6[%parallel_loop3A_99, %parallel_loop3A_100] {strides = array<i32>} : memref<512x128xf32, #tpu.memory_space<vmem>>, vector<1x16xf32>,
      %parallel_loop3A_102 = vector.shape_cast %parallel_loop3A_101 : vector<1x16xf32> to vector<16xf32>
      %parallel_loop3A_103 = arith.addf %parallel_loop3A_102, %get3A_29 : vector<16xf32>
      %parallel_loop3A_104 = arith.index_cast %parallel_loop3A_58 : i32 to index
      %parallel_loop3A_105 = arith.constant 64 : index
      %parallel_loop3A_106 = tpu.vector_load %arg6[%parallel_loop3A_104, %parallel_loop3A_105] {strides = array<i32>} : memref<512x128xf32, #tpu.memory_space<vmem>>, vector<1x16xf32>,
      %parallel_loop3A_107 = vector.shape_cast %parallel_loop3A_106 : vector<1x16xf32> to vector<16xf32>
      %parallel_loop3A_108 = vector.shape_cast %parallel_loop3A_103 : vector<16xf32> to vector<1x16xf32>
      tpu.vector_store %arg6[%parallel_loop3A_104, %parallel_loop3A_105], %parallel_loop3A_108 {strides = array<i32>} : memref<512x128xf32, #tpu.memory_space<vmem>>, vector<1x16xf32>,
      %parallel_loop3A_109 = arith.index_cast %parallel_loop3A_58 : i32 to index
      %parallel_loop3A_110 = arith.constant 80 : index
      %parallel_loop3A_111 = tpu.vector_load %arg6[%parallel_loop3A_109, %parallel_loop3A_110] {strides = array<i32>} : memref<512x128xf32, #tpu.memory_space<vmem>>, vector<1x16xf32>,
      %parallel_loop3A_112 = vector.shape_cast %parallel_loop3A_111 : vector<1x16xf32> to vector<16xf32>
      %parallel_loop3A_113 = arith.addf %parallel_loop3A_112, %get3A_34 : vector<16xf32>
      %parallel_loop3A_114 = arith.index_cast %parallel_loop3A_58 : i32 to index
      %parallel_loop3A_115 = arith.constant 80 : index
      %parallel_loop3A_116 = tpu.vector_load %arg6[%parallel_loop3A_114, %parallel_loop3A_115] {strides = array<i32>} : memref<512x128xf32, #tpu.memory_space<vmem>>, vector<1x16xf32>,
      %parallel_loop3A_117 = vector.shape_cast %parallel_loop3A_116 : vector<1x16xf32> to vector<16xf32>
      %parallel_loop3A_118 = vector.shape_cast %parallel_loop3A_113 : vector<16xf32> to vector<1x16xf32>
      tpu.vector_store %arg6[%parallel_loop3A_114, %parallel_loop3A_115], %parallel_loop3A_118 {strides = array<i32>} : memref<512x128xf32, #tpu.memory_space<vmem>>, vector<1x16xf32>,
      %parallel_loop3A_119 = arith.index_cast %parallel_loop3A_58 : i32 to index
      %parallel_loop3A_120 = arith.constant 96 : index
      %parallel_loop3A_121 = tpu.vector_load %arg6[%parallel_loop3A_119, %parallel_loop3A_120] {strides = array<i32>} : memref<512x128xf32, #tpu.memory_space<vmem>>, vector<1x16xf32>,
      %parallel_loop3A_122 = vector.shape_cast %parallel_loop3A_121 : vector<1x16xf32> to vector<16xf32>
      %parallel_loop3A_123 = arith.addf %parallel_loop3A_122, %get3A_39 : vector<16xf32>
      %parallel_loop3A_124 = arith.index_cast %parallel_loop3A_58 : i32 to index
      %parallel_loop3A_125 = arith.constant 96 : index
      %parallel_loop3A_126 = tpu.vector_load %arg6[%parallel_loop3A_124, %parallel_loop3A_125] {strides = array<i32>} : memref<512x128xf32, #tpu.memory_space<vmem>>, vector<1x16xf32>,
      %parallel_loop3A_127 = vector.shape_cast %parallel_loop3A_126 : vector<1x16xf32> to vector<16xf32>
      %parallel_loop3A_128 = vector.shape_cast %parallel_loop3A_123 : vector<16xf32> to vector<1x16xf32>
      tpu.vector_store %arg6[%parallel_loop3A_124, %parallel_loop3A_125], %parallel_loop3A_128 {strides = array<i32>} : memref<512x128xf32, #tpu.memory_space<vmem>>, vector<1x16xf32>,
      %parallel_loop3A_129 = arith.index_cast %parallel_loop3A_58 : i32 to index
      %parallel_loop3A_130 = arith.constant 112 : index
      %parallel_loop3A_131 = tpu.vector_load %arg6[%parallel_loop3A_129, %parallel_loop3A_130] {strides = array<i32>} : memref<512x128xf32, #tpu.memory_space<vmem>>, vector<1x16xf32>,
      %parallel_loop3A_132 = vector.shape_cast %parallel_loop3A_131 : vector<1x16xf32> to vector<16xf32>
      %parallel_loop3A_133 = arith.addf %parallel_loop3A_132, %get3A_44 : vector<16xf32>
      %parallel_loop3A_134 = arith.index_cast %parallel_loop3A_58 : i32 to index
      %parallel_loop3A_135 = arith.constant 112 : index
      %parallel_loop3A_136 = tpu.vector_load %arg6[%parallel_loop3A_134, %parallel_loop3A_135] {strides = array<i32>} : memref<512x128xf32, #tpu.memory_space<vmem>>, vector<1x16xf32>,
      %parallel_loop3A_137 = vector.shape_cast %parallel_loop3A_136 : vector<1x16xf32> to vector<16xf32>
      %parallel_loop3A_138 = vector.shape_cast %parallel_loop3A_133 : vector<16xf32> to vector<1x16xf32>
      tpu.vector_store %arg6[%parallel_loop3A_134, %parallel_loop3A_135], %parallel_loop3A_138 {strides = array<i32>} : memref<512x128xf32, #tpu.memory_space<vmem>>, vector<1x16xf32>,
    } {sc.loop_unroll_factor = 2 : i64, sc.parallel_access}
    %dma_start3A_50 = arith.constant 0 : i32
    %dma_start3A_51 = tpu.memref_slice %arg4[%mul3A_2, %dma_start3A_50] : memref<16384x128xf32, #tpu.memory_space<hbm>> -> memref<512x128xf32, #tpu.memory_space<hbm>>
    %dma_start3A_52 = arith.constant 0 : i32
    %dma_start3A_53 = tpu.memref_slice %arg4[%mul3A_2, %dma_start3A_52] : memref<16384x128xf32, #tpu.memory_space<hbm>> -> memref<512x128xf32, #tpu.memory_space<hbm>>
    tpu.enqueue_dma source(%arg6 : memref<512x128xf32, #tpu.memory_space<vmem>>) target(%dma_start3A_53 : memref<512x128xf32, #tpu.memory_space<hbm>>) target_semaphore(%arg7 : memref<!tpu.dma_semaphore, #tpu.memory_space<semaphore_mem>>)
    %dma_wait3A_54 = arith.constant 0 : i32
    %dma_wait3A_55 = tpu.memref_slice %arg4[%mul3A_2, %dma_wait3A_54] : memref<16384x128xf32, #tpu.memory_space<hbm>> -> memref<512x128xf32, #tpu.memory_space<hbm>>
    %dma_wait3A_56 = arith.constant 0 : i32
    %dma_wait3A_57 = tpu.memref_slice %arg4[%mul3A_2, %dma_wait3A_56] : memref<16384x128xf32, #tpu.memory_space<hbm>> -> memref<512x128xf32, #tpu.memory_space<hbm>>
    tpu.wait_dma2 semaphore(%arg7 : memref<!tpu.dma_semaphore, #tpu.memory_space<semaphore_mem>>) src(%arg6 : memref<512x128xf32, #tpu.memory_space<vmem>>) dst(%dma_wait3A_57 : memref<512x128xf32, #tpu.memory_space<hbm>>)
    return
  }
}

module attributes {stable_mosaic.version = 14 : i64} {
  func.func @_tc_body(%arg0: i32, %arg1: memref<8192x128xf32, #tpu.memory_space<vmem>>, %arg2: memref<8192x128xf32, #tpu.memory_space<vmem>>, %arg3: memref<8192x128xf32, #tpu.memory_space<vmem>>, %arg4: memref<4x128xf32, #tpu.memory_space<vmem>>, %arg5: memref<8192x128xf32, #tpu.memory_space<vmem>>, %arg6: memref<8192x128xf32, #tpu.memory_space<vmem>>, %arg7: memref<8192x128xf32, #tpu.memory_space<vmem>>) attributes {dimension_semantics = [#tpu.dimension_semantics<arbitrary>], iteration_bounds = array<i64: 2>, scalar_prefetch = 0 : i64, scratch_operands = 0 : i64, tpu.core_type = #tpu.core_type<tc>, window_params = [{transform_indices = @transform_0, window_bounds = array<i64: 8192, 128>}, {transform_indices = @transform_1, window_bounds = array<i64: 8192, 128>}, {transform_indices = @transform_2, window_bounds = array<i64: 8192, 128>}, {pipeline_mode = #tpu.pipeline_mode<synchronous>, transform_indices = @transform_3, window_bounds = array<i64: 4, 128>}, {transform_indices = @transform_4, window_bounds = array<i64: 8192, 128>}, {transform_indices = @transform_5, window_bounds = array<i64: 8192, 128>}, {transform_indices = @transform_6, window_bounds = array<i64: 8192, 128>}]} {
    %get3A = arith.constant 0 : index
    %get3A_0 = arith.constant 0 : index
    %get3A_1 = vector.load %arg1[%get3A, %get3A_0] : memref<8192x128xf32, #tpu.memory_space<vmem>>, vector<8192x128xf32>
    %get3A_2 = arith.constant 0 : index
    %get3A_3 = arith.constant 0 : index
    %get3A_4 = vector.load %arg4[%get3A_2, %get3A_3] : memref<4x128xf32, #tpu.memory_space<vmem>>, vector<1x128xf32>
    %add3A = vector.broadcast %get3A_4 : vector<1x128xf32> to vector<8192x128xf32>
    %add3A_5 = arith.addf %get3A_1, %add3A : vector<8192x128xf32>
    %swap3A = arith.constant 0 : index
    %swap3A_6 = arith.constant 0 : index
    %swap3A_7 = vector.load %arg5[%swap3A, %swap3A_6] : memref<8192x128xf32, #tpu.memory_space<vmem>>, vector<8192x128xf32>
    tpu.vector_store %arg5[%swap3A, %swap3A_6], %add3A_5 {strides = array<i32>} : memref<8192x128xf32, #tpu.memory_space<vmem>>, vector<8192x128xf32>,
    %get3A_8 = arith.constant 0 : index
    %get3A_9 = arith.constant 0 : index
    %get3A_10 = vector.load %arg2[%get3A_8, %get3A_9] : memref<8192x128xf32, #tpu.memory_space<vmem>>, vector<8192x128xf32>
    %get3A_11 = arith.constant 1 : index
    %get3A_12 = arith.constant 0 : index
    %get3A_13 = vector.load %arg4[%get3A_11, %get3A_12] : memref<4x128xf32, #tpu.memory_space<vmem>>, vector<1x128xf32>
    %add3A_14 = vector.broadcast %get3A_13 : vector<1x128xf32> to vector<8192x128xf32>
    %add3A_15 = arith.addf %get3A_10, %add3A_14 : vector<8192x128xf32>
    %swap3A_16 = arith.constant 0 : index
    %swap3A_17 = arith.constant 0 : index
    %swap3A_18 = vector.load %arg6[%swap3A_16, %swap3A_17] : memref<8192x128xf32, #tpu.memory_space<vmem>>, vector<8192x128xf32>
    tpu.vector_store %arg6[%swap3A_16, %swap3A_17], %add3A_15 {strides = array<i32>} : memref<8192x128xf32, #tpu.memory_space<vmem>>, vector<8192x128xf32>,
    %get3A_19 = arith.constant 0 : index
    %get3A_20 = arith.constant 0 : index
    %get3A_21 = vector.load %arg3[%get3A_19, %get3A_20] : memref<8192x128xf32, #tpu.memory_space<vmem>>, vector<8192x128xf32>
    %get3A_22 = arith.constant 2 : index
    %get3A_23 = arith.constant 0 : index
    %get3A_24 = vector.load %arg4[%get3A_22, %get3A_23] : memref<4x128xf32, #tpu.memory_space<vmem>>, vector<1x128xf32>
    %add3A_25 = vector.broadcast %get3A_24 : vector<1x128xf32> to vector<8192x128xf32>
    %add3A_26 = arith.addf %get3A_21, %add3A_25 : vector<8192x128xf32>
    %swap3A_27 = arith.constant 0 : index
    %swap3A_28 = arith.constant 0 : index
    %swap3A_29 = vector.load %arg7[%swap3A_27, %swap3A_28] : memref<8192x128xf32, #tpu.memory_space<vmem>>, vector<8192x128xf32>
    tpu.vector_store %arg7[%swap3A_27, %swap3A_28], %add3A_26 {strides = array<i32>} : memref<8192x128xf32, #tpu.memory_space<vmem>>, vector<8192x128xf32>,
    return
  }
  func.func @transform_0(%arg0: i32) -> (i32, i32) {
    %c0_i32 = arith.constant 0 : i32
    %c0_i32_0 = arith.constant 0 : i32
    return %arg0, %c0_i32 : i32, i32
  }
  func.func @transform_1(%arg0: i32) -> (i32, i32) {
    %c0_i32 = arith.constant 0 : i32
    %c0_i32_0 = arith.constant 0 : i32
    return %arg0, %c0_i32 : i32, i32
  }
  func.func @transform_2(%arg0: i32) -> (i32, i32) {
    %c0_i32 = arith.constant 0 : i32
    %c0_i32_0 = arith.constant 0 : i32
    return %arg0, %c0_i32 : i32, i32
  }
  func.func @transform_3(%arg0: i32) -> (i32, i32) {
    %c0_i32 = arith.constant 0 : i32
    %c0_i32_0 = arith.constant 0 : i32
    %c0_i32_1 = arith.constant 0 : i32
    return %c0_i32, %c0_i32_0 : i32, i32
  }
  func.func @transform_4(%arg0: i32) -> (i32, i32) {
    %c0_i32 = arith.constant 0 : i32
    %c0_i32_0 = arith.constant 0 : i32
    return %arg0, %c0_i32 : i32, i32
  }
  func.func @transform_5(%arg0: i32) -> (i32, i32) {
    %c0_i32 = arith.constant 0 : i32
    %c0_i32_0 = arith.constant 0 : i32
    return %arg0, %c0_i32 : i32, i32
  }
  func.func @transform_6(%arg0: i32) -> (i32, i32) {
    %c0_i32 = arith.constant 0 : i32
    %c0_i32_0 = arith.constant 0 : i32
    return %arg0, %c0_i32 : i32, i32
  }
}

</mosaic_0001>

<sc_bundles>
// kernel: kernel.4.cloned.1.call-start
scs
__scs_entry_jumppad:
0x0: {  	(pc) =	sbr.rel $0x88, $3  }
0x1: {  	(tag) =	ssettag $0x0;
	lr =	simm.s32 $0x1  }
0x2: {  	[smem:$0x3F9C] =	sst lr;
	_ =	strace $0xD0000000  }
0x3: {  	_ = 	snop  }
0x4: {  	_ = 	snop  }
0x5: {  	_ = 	snop  }
0x6: {  	_ = 	snop  }
0x7: {  	_ = 	snop  }
__scs_overlays_trampoline_lowered:
0x8: {  	[smem:$0x3FAB] =	sst s0  }
0x9: {  	[smem:$0x3FAC] =	sst s1  }
0xa: {  	[smem:$0x3FAD] =	sst s2  }
0xb: {  	[smem:$0x3FAE] =	sst s3  }
0xc: {  	[smem:$0x3FAF] =	sst s4  }
0xd: {  	[smem:$0x3FB0] =	sst s5  }
0xe: {  	[smem:$0x3FB1] =	sst s6  }
0xf: {  	[smem:$0x3FB2] =	sst s7  }
0x10: {  	[smem:$0x3FB3] =	sst s8  }
0x11: {  	[smem:$0x3FB4] =	sst s9;
	s0 =	simm.s32 @!p0 $0x0  }
0x12: {  	s1 =	sld [smem:$0x3F9A];
	s0 =	simm.s32 @p0 $0x1  }
0x13: {  	[smem:$0x3FB5] =	sst s0;
	s0 =	simm.s32 @!p1 $0x0  }
0x14: {  	s2 =	sld [smem:$0x3F99];
	s0 =	simm.s32 @p1 $0x1  }
0x15: {  	[smem:$0x3FB6] =	sst s0;
	s0 =	simm.s32 @!p2 $0x0  }
0x16: {  	s3 =	sld [smem:$0x3FDB];
	s0 =	simm.s32 @p2 $0x1  }
0x17: {  	s4 =	simm.s32 $0x1BF5;
	[smem:$0x3FB8] =	sst s0  }
0x18: {  	s0 =	sld [smem:$0x3F9B];
	_ =	swait.ge [sflag:s4], $0x0  }
0x19: {  	s7 =	sld [smem:$0x3F9C]  }
0x1a: {  	s8 =	sadd.s32 $0xFFFFE003, lr  }
0x1b: {  	s9 =	sadd.s32 $0xFFFFFEF7, lr;
	s5 =	simm.s32 $0xFFFFFFFF;
	p2 =	slt.u32 s8, $0xFFFFF086  }
0x1c: {  	p1 =	slt.u32 s9, $0xF7A;
	s5 =	simm.s32 @!p2 $0x0  }
0x1d: {  	s5 =	simm.s32 @p1 $0x1;
	p0 =	seq.s32 s7, s2  }
0x1e: {  	s7 =	smul.u32 @!p0 $0xF7A, s2;
	p2 =	seq.s32 @!p0 s5, $0x0  }
0x1f: {  	s9 =	smul.u32 $0xF7A, s1;
	s8 =	simm.s32 @!p0 $0x1BF5;
	p2 =	por !p2, p0  }
0x20: {  	[sflag:s8] =	ssyncset.s32 @!p0 $0xFFFFF086;
	s6 =	sadd.s32 @!p0 s3, s7;
	s7 =	simm.s32 @!p0 $0x108  }
0x21: {  	s3 =	sadd.s32 s3, s9;
	s6 =	sadd.s32 @!p0 $0x88, s6;
	s7 =	simm.s32 @p2 $0x1082  }
0x22: {  	[simem:s7], [sflag:s8] =	dma.local @!p0 [hbm:s6], $0xF7A  }
0x23: {  	s9 =	sor.u32 $0xD0000000, s2;
	s6 =	simm.s32 $0x108;
	_ =	swait.ge @!p0 [sflag:s8], $0x0  }
0x24: {  	s3 =	sadd.s32 $0x88, s3;
	s6 =	simm.s32 @!p1 $0x1082;
	[sflag:s4] =	ssyncset.s32 $0xFFFFF086  }
0x25: {  	[simem:s6], [sflag:s4] =	dma.local [hbm:s3], $0xF7A  }
0x26: {  	[smem:$0x3F9C] =	sst s1;
	(tag) =	ssettag s2;
	_ =	strace s9  }
0x27: {  	s1 =	sld [smem:$0x3FAC]  }
0x28: {  	s2 =	sld [smem:$0x3FAD]  }
0x29: {  	s4 =	sld [smem:$0x3FAF]  }
0x2a: {  	p0 =	seq.s32 s5, $0x0;
	s5 =	sld [smem:$0x3FB0]  }
0x2b: {  	s6 =	sld [smem:$0x3FB1]  }
0x2c: {  	s7 =	sld [smem:$0x3FB2]  }
0x2d: {  	s3 =	simm.s32 $0x108;
	s8 =	sld [smem:$0x3FB3]  }
0x2e: {  	s3 =	simm.s32 @!p0 $0x1082;
	s9 =	sld [smem:$0x3FB4]  }
0x2f: {  	lr =	sadd.s32 s0, s3;
	s0 =	sld [smem:$0x3FAB]  }
0x30: {  	s3 =	sld [smem:$0x3FAE]  }
0x31: {  	[smem:$0x3FB7] =	sst s10  }
0x32: {  	s10 =	sld [smem:$0x3FB5];
	_ =	sdelay $0x3  }
0x33: {  	p0 =	seq.s32 s10, $0x1;
	s10 =	sld [smem:$0x3FB7];
	_ =	sdelay $0x3  }
0x34: {  	[smem:$0x3FB7] =	sst s10  }
0x35: {  	s10 =	sld [smem:$0x3FB6];
	_ =	sdelay $0x3  }
0x36: {  	p1 =	seq.s32 s10, $0x1;
	s10 =	sld [smem:$0x3FB7];
	_ =	sdelay $0x3  }
0x37: {  	[smem:$0x3FB7] =	sst s10  }
0x38: {  	s10 =	sld [smem:$0x3FB8]  }
0x39: {  	_ = 	snop;
	(pc) =	sbr.ind lr, $3  }
0x3a: {  	_ = 	snop  }
0x3b: {  	_ = 	snop  }
0x3c: {  	p2 =	seq.s32 s10, $0x1;
	s10 =	sld [smem:$0x3FB7]  }
0x3d: {  	_ =	shalt  }
0x3e: {  	_ =	shalt  }
0x3f: {  	_ =	shalt  }
0x40: {  	_ =	shalt  }
0x41: {  	_ =	shalt  }
0x42: {  	_ =	shalt  }
0x43: {  	_ =	shalt  }
0x44: {  	_ =	shalt  }
0x45: {  	_ =	shalt  }
0x46: {  	_ =	shalt  }
0x47: {  	_ =	shalt  }
0x48: {  	_ =	shalt  }
0x49: {  	_ =	shalt  }
0x4a: {  	_ =	shalt  }
0x4b: {  	_ =	shalt  }
0x4c: {  	_ =	shalt  }
0x4d: {  	_ =	shalt  }
0x4e: {  	_ =	shalt  }
0x4f: {  	_ =	shalt  }
0x50: {  	_ =	shalt  }
0x51: {  	_ =	shalt  }
0x52: {  	_ =	shalt  }
0x53: {  	_ =	shalt  }
0x54: {  	_ =	shalt  }
0x55: {  	_ =	shalt  }
0x56: {  	_ =	shalt  }
0x57: {  	_ =	shalt  }
0x58: {  	_ =	shalt  }
0x59: {  	_ =	shalt  }
0x5a: {  	_ =	shalt  }
0x5b: {  	_ =	shalt  }
0x5c: {  	_ =	shalt  }
0x5d: {  	_ =	shalt  }
0x5e: {  	_ =	shalt  }
0x5f: {  	_ =	shalt  }
0x60: {  	_ =	shalt  }
0x61: {  	_ =	shalt  }
0x62: {  	_ =	shalt  }
0x63: {  	_ =	shalt  }
0x64: {  	_ =	shalt  }
0x65: {  	_ =	shalt  }
0x66: {  	_ =	shalt  }
0x67: {  	_ =	shalt  }
0x68: {  	_ =	shalt  }
0x69: {  	_ =	shalt  }
0x6a: {  	_ =	shalt  }
0x6b: {  	_ =	shalt  }
0x6c: {  	_ =	shalt  }
0x6d: {  	_ =	shalt  }
0x6e: {  	_ =	shalt  }
0x6f: {  	_ =	shalt  }
0x70: {  	_ =	shalt  }
0x71: {  	_ =	shalt  }
0x72: {  	_ =	shalt  }
0x73: {  	_ =	shalt  }
0x74: {  	_ =	shalt  }
0x75: {  	_ =	shalt  }
0x76: {  	_ =	shalt  }
0x77: {  	_ =	shalt  }
0x78: {  	_ =	shalt  }
0x79: {  	_ =	shalt  }
0x7a: {  	_ =	shalt  }
0x7b: {  	_ =	shalt  }
0x7c: {  	_ =	shalt  }
0x7d: {  	_ =	shalt  }
0x7e: {  	_ =	shalt  }
0x7f: {  	_ =	shalt  }
0x80: {  	_ =	shalt  }
0x81: {  	_ =	shalt  }
0x82: {  	_ =	shalt  }
0x83: {  	_ =	shalt  }
0x84: {  	_ =	shalt  }
0x85: {  	_ =	shalt  }
0x86: {  	_ =	shalt  }
0x87: {  	_ =	shalt  }
.Lfunc_end0:
.L_simem_size_0:
called_computation_lowered:
.L_overlay_start_0:
0x88: {  	s2 =	sld [smem:$0x3FD9]  }
0x89: {  	s3 =	sld [smem:$0x3FFE];
	_ =	sdelay $0x1  }
0x8a: {  	s1 =	srdreg.scid  }
0x8b: {  	s0 =	sand.u32 $0x1, s1  }
0x8c: {  	s15 =	sshll.u32 s0, $0xA;
	s2 =	sadd.s32 s3, s2  }
0x8d: {  	s2 =	sadd.s32 s2, s15  }
0x8e: {  	[smem:$0x3FC3] =	sst s2  }
0x8f: {  	_ = 	snop  }
0x90: {  	s2 =	sld [smem:$0x3FD0];
	_ =	sdelay $0x1  }
0x91: {  	s16 =	sld [smem:$0x3FC6]  }
0x92: {  	s5 =	simm.s32 $0xA;
	s6 =	simm.s32 $0x10;
	s4 =	sld [smem:$0x3FC5]  }
0x93: {  	[smem:s6], [sflag:s5] =	dma.local [hbm:s2], $0x1  }
0x94: {  	_ =	swait.eq [sflag:s5], $0x1  }
0x95: {  	[sflag:s5] =	ssyncset.done $0x0  }
0x96: {  	[sflag:s5] =	ssyncadd.s32 $0xFFFFFFFF  }
0x97: {  	s17 =	sld [smem:$0x13];
	(tm) =	ssettm $0x1  }
0x98: {  	s18 =	sld [smem:$0x3FFB];
	_ =	sdelay $0x3  }
0x99: {  	_ =	strace s18  }
0x9a: {  	s5 =	sld [smem:$0x3FFC];
	_ =	sdelay $0x3  }
0x9b: {  	_ =	strace s5  }
0x9c: {  	s5 =	sld [smem:$0x3FFD];
	_ =	sdelay $0x3  }
0x9d: {  	_ =	strace s5  }
0x9e: {  	_ =	strace $0x8FFFFFFF  }
0x9f: {  	s19 =	sld [smem:$0x3FDB];
	_ =	sdelay $0x1  }
0xa0: {  	s20 =	simm.s32 $_scs_section_size  }
0xa1: {  	s7 =	simm.s32 $_size__tile_overlayer_lowered;
	s8 =	simm.s32 $_tile_overlayer_lowered  }
0xa2: {  	s23 =	simm.s32 $0x1BFF;
	s22 =	sshll.u32 s8, $0x1;
	s5 =	sadd.s32 s20, s19  }
0xa3: {  	s9 =	simm.s32 $0x0;
	s21 =	sshll.u32 s7, $0x1;
	s7 =	sadd.s32 s22, s5  }
0xa4: {  	[timem:s9], [sflag:s23] =	dma.local [hbm:s7], s21  }
0xa5: {  	_ =	swait.ge [sflag:s23], s21  }
0xa6: {  	s6 =	ssub.s32 $0x0, s21;
	[sflag:s23] =	ssyncset.done $0x0  }
0xa7: {  	[sflag:s23] =	ssyncadd.s32 s6;
	_ =	sdelay $0x1  }
0xa8: {  	s24 =	simm.s32 $0x1B8B  }
0xa9: {  	_ =	swait.ge [sflag:s24], $0x1  }
0xaa: {  	[sflag:s24] =	ssyncset.done $0x0  }
0xab: {  	s25 =	simm.s32 $0x1B8E;
	[sflag:s24] =	ssyncadd.s32 $0xFFFFFFFF  }
0xac: {  	s26 =	simm.s32 $execute0_lowered;
	[smem:$0x3FD2] =	sst s25  }
0xad: {  	s6 =	sshll.u32 s26, $0x1;
	_ =	strace $0x80000046;
	[dreg:$0x1] =	wrdreg $0xFFFFFFFF  }
0xae: {  	s28 =	simm.s32 $_size_execute0_lowered;
	s5 =	sadd.s32 s5, s6;
	[dreg:$0x0] =	wrdreg $0x0  }
0xaf: {  	s6 =	sshll.u32 s28, $0x1;
	[dreg:$0x2] =	wrdreg s5  }
0xb0: {  	[dreg:$0x3] =	wrdreg s6  }
0xb1: {  	[dreg:$0x4] =	wrdreg $0xC0  }
0xb2: {  	_ =	task [dreg:s9], $0x5FFFF  }
0xb3: {  	[dreg:$0x1] =	wrdreg $0xFFFFFFFF  }
0xb4: {  	[dreg:$0x0] =	wrdreg $0x60  }
0xb5: {  	[dreg:$0x2] =	wrdreg s16  }
0xb6: {  	[dreg:$0x3] =	wrdreg s4  }
0xb7: {  	[dreg:$0x4] =	wrdreg s17  }
0xb8: {  	[dreg:$0x5] =	wrdreg $0x9  }
0xb9: {  	_ =	task.clear_ibuf [dreg:s9], $0x6FFFF;
	_ =	strace $0x90000046  }
0xba: {  	s29 =	simm.s32 $0x9;
	_ =	strace $0x80000048  }
0xbb: {  	_ =	swait.ge [sflag:s29], $0x1  }
0xbc: {  	[sflag:s29] =	ssyncadd.s32 $0xFFFFFFFF  }
0xbd: {  	_ =	strace $0x90000048  }
0xbe: {  	_ =	sfence  }
0xbf: {  	s30 =	sld [smem:$0x0];
	_ =	sdelay $0x2  }
0xc0: {  	s31 =	sshll.u32 s1, $0xD;
	s1 =	sshrl.u32 s1, $0x2  }
0xc1: {  	s3 =	sand.u32 $0x4000, s31;
	s1 =	sadd.s32 s1, s30  }
0xc2: {  	s0 =	sor.u32 s3, s0;
	s1 =	sshll.u32 s1, $0x11  }
0xc3: {  	s0 =	sor.u32 s1, s0  }
0xc4: {  	s0 =	sadd.s32 $0x8F2B, s0  }
0xc5: {  	[sflag:s0] =	ssyncadd.remote.s32 $0x1  }
0xc6: {  	_ =	sfence.sel $0xFFFF  }
0xc7: {  	[dreg:$0x0] =	wrdreg $0xFFFFFFFF;
	(pc) =	sbr.abs _section_cstart, $3  }
0xc8: {  	[dreg:$0x1] =	wrdreg $0xFFFFFFFF  }
0xc9: {  	_ =	task.clear_ibuf [dreg:s9], $0x2FFFF;
	_ =	strace $0x9FFFFFFF  }
0xca: {  	(tm) =	ssettm $0x7FFFFFFF  }
0xcb: {  	_ =	shalt  }
tec
execute0_lowered:
.L_overlay_start_1:
0x0: {  	(tag) =	ssettag $0x1  }
0x1: {  	s4 =	rddreg [dreg:$0x0]  }
0x2: {  	s1 =	rddreg [dreg:$0x1]  }
0x3: {  	s5 =	rddreg [dreg:$0x2]  }
0x4: {  	s0 =	rddreg [dreg:$0x3];
	s6 =	srdreg.scid  }
0x5: {  	s3 =	simm.s32 $0x0;
	s2 =	stileid.u32;
	s10 =	simm.s32 $0x0  }
0x6: {  	s6 =	sand.u32 $0x1, s6;
	s8 =	sshll.u32 s2, $0xE;
	[smem:$0x7FF] =	sst s3  }
0x7: {  	s7 =	ssub.s32 $0x2, s6;
	s6 =	sshll.u32 s6, $0xD;
	_ =	strace $0x80000047  }
0x8: {  	s9 =	sshrl.u32 s7, $0x1;
	s6 =	sor.u32 s6, s8;
	s8 =	simm.s32 $0x2  }
0x9: {  	s7 =	ssub.s32 s7, s9;
	s4 =	sadd.s32 s4, s6;
	s5 =	sadd.s32 s5, s6  }
0xa: {  	s9 =	simm.s32 $0x1;
	s6 =	smax.u32 s7, $0x1;
	s7 =	simm.s32 $0x200  }
.LBB2_1:
0xb: {  	[tilespmem:s3], [sflag:$0x2] =	stream.linear.gather [hbm4b:s1+s3], $0x200, $0x38;
	[tilespmem:$0x10200] =	vst v63  }
0xc: {  	_ = 	snop  }
0xd: {  	[tilespmem:s7], [sflag:$0x1] =	stream.linear.gather [hbm4b:s4+s3], $0x10000, $0x38;
	[tilespmem:$0x10200] =	vst v63  }
0xe: {  	_ =	swait.ge [sflag:s8], $0x200  }
0xf: {  	[sflag:s8] =	ssyncset.done $0x0  }
0x10: {  	[sflag:s8] =	ssyncadd.s32 $0xFFFFFE00  }
0x11: {  	v0 =	vld [tilespmem:$0x180]  }
0x12: {  	v5 =	vld [tilespmem:$0x190]  }
0x13: {  	v6 =	vld [tilespmem:$0x1A0]  }
0x14: {  	v4 =	vld [tilespmem:$0x1B0]  }
0x15: {  	v3 =	vld [tilespmem:$0x1C0]  }
0x16: {  	v2 =	vld [tilespmem:$0x1D0]  }
0x17: {  	v1 =	vld [tilespmem:$0x1E0]  }
0x18: {  	v7 =	vld [tilespmem:$0x1F0];
	_ =	swait.ge [sflag:s9], $0x10000  }
0x19: {  	[sflag:s9] =	ssyncset.done $0x0  }
0x1a: {  	s11 =	simm.s32 $0x280;
	[sflag:s9] =	ssyncadd.s32 $0xFFFF0000  }
0x1b: {  	v8 =	vld [tilespmem:s11+$0x70]  }
0x1c: {  	v9 =	vld [tilespmem:s11+$0xFFFFFF90]  }
0x1d: {  	v10 =	vld [tilespmem:s11+$0xFFFFFFA0]  }
0x1e: {  	v11 =	vld [tilespmem:s11+$0xFFFFFFB0]  }
0x1f: {  	v12 =	vld [tilespmem:s11+$0xFFFFFFC0]  }
0x20: {  	v13 =	vld [tilespmem:s11+$0xFFFFFFD0];
	v8 =	vadd.f32 v8, v7  }
0x21: {  	v14 =	vld [tilespmem:s11+$0xFFFFFFE0];
	v9 =	vadd.f32 v9, v5  }
0x22: {  	v15 =	vld [tilespmem:s11+$0xFFFFFFF0];
	v10 =	vadd.f32 v10, v6;
	[tilespmem:s11+$0x70] =	vst v8  }
0x23: {  	[tilespmem:s11+$0xFFFFFF90] =	vst v9;
	v8 =	vadd.f32 v11, v4;
	v11 =	vld [tilespmem:s11+$0x0]  }
0x24: {  	[tilespmem:s11+$0xFFFFFFA0] =	vst v10;
	v9 =	vadd.f32 v12, v3;
	v12 =	vld [tilespmem:s11+$0x10]  }
0x25: {  	v16 =	vld [tilespmem:s11+$0x20];
	v10 =	vadd.f32 v13, v2;
	[tilespmem:s11+$0xFFFFFFB0] =	vst v8  }
0x26: {  	v13 =	vadd.f32 v14, v1;
	[tilespmem:s11+$0xFFFFFFC0] =	vst v9;
	v8 =	vld [tilespmem:s11+$0x30]  }
0x27: {  	v14 =	vadd.f32 v15, v7;
	[tilespmem:s11+$0xFFFFFFD0] =	vst v10;
	v9 =	vld [tilespmem:s11+$0x40]  }
0x28: {  	[tilespmem:s11+$0xFFFFFFE0] =	vst v13;
	v10 =	vld [tilespmem:s11+$0x50];
	v15 =	vadd.f32 v11, v0  }
0x29: {  	[tilespmem:s11+$0xFFFFFFF0] =	vst v14;
	v11 =	vld [tilespmem:s11+$0x60];
	v13 =	vadd.f32 v12, v5  }
0x2a: {  	s12 =	simm.s32 $0x0;
	s13 =	simm.s32 $0x380;
	v14 =	vadd.f32 v16, v6;
	v12 =	vld [tilespmem:s11+$0xFFFFFF80];
	[tilespmem:s11+$0x0] =	vst v15  }
.LBB2_2:
0x2b: {  	v15 =	vld [tilespmem:s13+$0x70];
	s12 =	sadd.s32 $0x2, s12;
	[tilespmem:s11+$0x10] =	vst v13;
	v8 =	vadd.f32 v8, v4  }
0x2c: {  	v13 =	vld [tilespmem:s13+$0xFFFFFF90];
	p0 =	slt.u32 s12, $0x1FE;
	[tilespmem:s11+$0x20] =	vst v14;
	v9 =	vadd.f32 v9, v3  }
0x2d: {  	v14 =	vld [tilespmem:s13+$0xFFFFFFA0];
	[tilespmem:s11+$0x30] =	vst v8;
	v8 =	vadd.f32 v10, v2  }
0x2e: {  	v10 =	vld [tilespmem:s13+$0xFFFFFFB0];
	[tilespmem:s11+$0x40] =	vst v9;
	v9 =	vadd.f32 v11, v1  }
0x2f: {  	v11 =	vld [tilespmem:s13+$0xFFFFFFC0];
	v12 =	vadd.f32 v12, v0;
	[tilespmem:s11+$0x50] =	vst v8  }
0x30: {  	v8 =	vld [tilespmem:s13+$0xFFFFFFD0];
	v15 =	vadd.f32 v15, v7;
	[tilespmem:s11+$0x60] =	vst v9  }
0x31: {  	v9 =	vadd.f32 v13, v5;
	v13 =	vld [tilespmem:s13+$0xFFFFFFE0];
	[tilespmem:s11+$0xFFFFFF80] =	vst v12;
	s11 =	smov.u32 s13  }
0x32: {  	v12 =	vadd.f32 v14, v6;
	v14 =	vld [tilespmem:s13+$0xFFFFFFF0];
	[tilespmem:s13+$0x70] =	vst v15  }
0x33: {  	[tilespmem:s13+$0xFFFFFF90] =	vst v9;
	v9 =	vadd.f32 v10, v4;
	v10 =	vld [tilespmem:s13+$0x0]  }
0x34: {  	[tilespmem:s13+$0xFFFFFFA0] =	vst v12;
	v11 =	vadd.f32 v11, v3;
	v12 =	vld [tilespmem:s13+$0x10]  }
0x35: {  	[tilespmem:s13+$0xFFFFFFB0] =	vst v9;
	v9 =	vadd.f32 v8, v2;
	v15 =	vld [tilespmem:s13+$0x20]  }
.Ltmp0:
0x36: {  	[tilespmem:s13+$0xFFFFFFC0] =	vst v11;
	v11 =	vadd.f32 v13, v1;
	v8 =	vld [tilespmem:s13+$0x30];
	(pc) =	sbr.rel @p0 .LBB2_2-.Ltmp0, $4  }
0x37: {  	[tilespmem:s13+$0xFFFFFFD0] =	vst v9;
	v13 =	vadd.f32 v14, v7;
	v9 =	vld [tilespmem:s13+$0x40]  }
0x38: {  	[tilespmem:s13+$0xFFFFFFE0] =	vst v11;
	v14 =	vadd.f32 v10, v0;
	v10 =	vld [tilespmem:s13+$0x50]  }
0x39: {  	[tilespmem:s13+$0xFFFFFFF0] =	vst v13;
	v13 =	vadd.f32 v12, v5;
	v11 =	vld [tilespmem:s13+$0x60]  }
0x3a: {  	s13 =	sadd.s32 $0x100, s13;
	v12 =	vld [tilespmem:s11+$0xFFFFFF80];
	[tilespmem:s11+$0x0] =	vst v14;
	v14 =	vadd.f32 v15, v6  }
0x3b: {  	[tilespmem:s11+$0x10] =	vst v13;
	v4 =	vadd.f32 v8, v4  }
0x3c: {  	[tilespmem:s11+$0x20] =	vst v14;
	v3 =	vadd.f32 v9, v3  }
0x3d: {  	[tilespmem:s11+$0x30] =	vst v4;
	v2 =	vadd.f32 v10, v2  }
0x3e: {  	[tilespmem:s11+$0x40] =	vst v3;
	v1 =	vadd.f32 v11, v1  }
0x3f: {  	s10 =	sadd.s32 $0x1, s10;
	v0 =	vadd.f32 v12, v0;
	[tilespmem:s11+$0x50] =	vst v2  }
0x40: {  	p0 =	sne.s32 s10, s6;
	[tilespmem:s11+$0x60] =	vst v1  }
.Ltmp1:
0x41: {  	[tilespmem:s11+$0xFFFFFF80] =	vst v0;
	(pc) =	sbr.rel @p0 .LBB2_1-.Ltmp1, $4  }
0x42: {  	[hbm4b:s5+s3] =	stream.linear.scatter [tilespmem:s7], [sflag:$0x1], $0x10000, $0x38;
	[tilespmem:$0x10200] =	vst v63  }
0x43: {  	_ =	swait.ge [sflag:s9], $0x10000  }
0x44: {  	[sflag:s9] =	ssyncset.done $0x0  }
0x45: {  	[sflag:s9] =	ssyncadd.s32 $0xFFFF0000  }
0x46: {  	_ =	sfence.sel $0x180000  }
0x47: {  	[bflag:$0x0] =	sbarrier.arrive $0xFFFF  }
0x48: {  	p0 =	sne.s32 s2, $0x0;
	_ =	strace $0x90000047  }
0x49: {  	s0 =	sadd.s32 @!p0 $0x100000, s0;
	[bflag:$0x2] =	sbarrier.arrive $0xFFFF  }
0x4a: {  	[sflag:s0] =	ssyncadd.tile.s32 @!p0 $0x1;
	_ =	shalt  }
.Lfunc_end2:
_tile_overlayer_lowered:
.L_overlay_start_2:
0x4b: {  	(tag) =	ssettag $0x2  }
0x4c: {  	s0 =	rddreg [dreg:$0x0];
	s2 =	stileid.u32  }
0x4d: {  	s1 =	rddreg [dreg:$0x1];
	p0 =	sne.s32 s2, $0x0  }
0x4e: {  	s3 =	rddreg [dreg:$0x2];
	[bflag:$0x3] =	sbarrier.arrive $0xFFFF;
	s2 =	simm.s32 @!p0 $0x1C03  }
0x4f: {  	[timem:s3], [sflag:s2] =	dma.local @!p0 [hbm:s0], s1  }
0x50: {  	s0 =	simm.s32 @!p0 $0x3  }
0x51: {  	_ =	swait.ge @!p0 [sflag:s0], s1  }
0x52: {  	s1 =	ssub.s32 @!p0 $0x0, s1;
	[sflag:s0] =	ssyncset.done @!p0 $0x0  }
0x53: {  	[sflag:s0] =	ssyncadd.s32 @!p0 s1  }
0x54: {  	[bflag:$0x3] =	sbarrier.arrive $0xFFFF  }
0x55: {  	_ =	shalt  }

</sc_bundles>
